<compile_context>
chip_gen: v7x
topology: tpu7x:2x2x1
jax: 0.10.2.dev20260603
libtpu: 0.0.44.dev20260713+nightly
codegen_flags: <defaults>
</compile_context>

<pallas_src>
import functools

import jax
import jax.numpy as jnp
from jax import lax
from jax.experimental import pallas as pl
from jax.experimental.pallas import tpu as pltpu
from jax.experimental.pallas import tpu_sc as plsc

_NUM_FEATURES = 256
_NUM_PIDS = 100000
_OIM_SCALAR = 30.0
_IGNORE_INDEX = 5554
_BATCH = 256

_BN = 10000
_K = _NUM_PIDS // _BN

_LOG2E = 1.4426950408889634
_LN2 = 0.6931471805599453


def _make_sc_gather():
    info = plsc.get_sparse_core_info()
    nc, ns = info.num_cores, info.num_subcores
    nworkers = 16
    b_per_w = _BATCH // nworkers
    mesh = plsc.VectorSubcoreMesh(core_axis_name="c", subcore_axis_name="s")

    @functools.partial(
        pl.kernel,
        mesh=mesh,
        out_type=[
            jax.ShapeDtypeStruct((_BATCH,), jnp.float32),
            jax.ShapeDtypeStruct((_BATCH, _NUM_FEATURES), jnp.float32),
        ],
        scratch_types=[
            pltpu.VMEM((b_per_w,), jnp.int32),
            pltpu.VMEM((b_per_w,), jnp.int32),
            pltpu.VMEM((b_per_w,), jnp.int32),
            pltpu.VMEM((b_per_w,), jnp.float32),
            pltpu.VMEM((b_per_w, _NUM_FEATURES), jnp.float32),
            pltpu.SemaphoreType.DMA,
        ],
    )
    def sc_gather(roi_hbm, labels_hbm, lut_hbm, valid_out, rows_out,
                  roi_v, safe_v, lbl_v, val_v, rows_v, sem):
        wid = lax.axis_index("s") * nc + lax.axis_index("c")

        @pl.when(wid < nworkers)
        def _work():
            base = wid * b_per_w
            pltpu.sync_copy(roi_hbm.at[pl.ds(base, b_per_w)], roi_v)
            t = roi_v[...] - 1
            inds = t >= 0
            safe_v[...] = jnp.where(inds, t, 0)
            pltpu.async_copy(labels_hbm.at[safe_v], lbl_v, sem).wait()
            lab = lbl_v[...]
            val_v[...] = jnp.where(inds & (lab != _IGNORE_INDEX), 1.0, 0.0)
            pltpu.sync_copy(val_v, valid_out.at[pl.ds(base, b_per_w)])
            pltpu.async_copy(lut_hbm.at[lbl_v], rows_v, sem).wait()
            pltpu.sync_copy(rows_v, rows_out.at[pl.ds(base, b_per_w)])

    return sc_gather


_sc_gather_cache = []


def _get_sc_gather():
    if not _sc_gather_cache:
        _sc_gather_cache.append(_make_sc_gather())
    return _sc_gather_cache[0]


def _tc_body(x_ref, lut_ref, logz_ref, m_s, s_s):
    k = pl.program_id(0)

    @pl.when(k == 0)
    def _init():
        m_s[...] = jnp.full((_BATCH, 1), -jnp.inf, jnp.float32)
        s_s[...] = jnp.zeros((_BATCH, 1), jnp.float32)

    xbf = (x_ref[...] * (_OIM_SCALAR * _LOG2E)).astype(jnp.bfloat16)
    proj2 = lax.dot_general(
        xbf, lut_ref[...].astype(jnp.bfloat16),
        (((1,), (1,)), ((), ())),
        preferred_element_type=jnp.float32,
    )
    bm = jnp.max(proj2, axis=1, keepdims=True)
    m_new = jnp.maximum(m_s[...], bm)
    s_s[...] = s_s[...] * jnp.exp2(m_s[...] - m_new) + jnp.sum(
        jnp.exp2(proj2 - m_new), axis=1, keepdims=True)
    m_s[...] = m_new

    @pl.when(k == _K - 1)
    def _finish():
        logz_ref[...] = (m_s[...] + jnp.log2(s_s[...])) * _LN2


_tc_logz = pl.pallas_call(
    _tc_body,
    grid=(_K,),
    in_specs=[
        pl.BlockSpec((_BATCH, _NUM_FEATURES), lambda k: (0, 0)),
        pl.BlockSpec((_BN, _NUM_FEATURES), lambda k: (k, 0)),
    ],
    out_specs=pl.BlockSpec((_BATCH, 1), lambda k: (0, 0)),
    out_shape=jax.ShapeDtypeStruct((_BATCH, 1), jnp.float32),
    scratch_shapes=[
        pltpu.VMEM((_BATCH, 1), jnp.float32),
        pltpu.VMEM((_BATCH, 1), jnp.float32),
    ],
)


def _epi_body(x_ref, glut_hbm, valid_ref, logz_ref, out_ref, glut_v, sem):
    copy = pltpu.make_async_copy(glut_hbm, glut_v, sem)
    copy.start()
    copy.wait()
    picked = jnp.sum(x_ref[...] * glut_v[...], axis=1,
                     keepdims=True) * _OIM_SCALAR
    nll = logz_ref[...] - picked
    v = valid_ref[...]
    total = jnp.sum(v * nll)
    cnt = jnp.sum(v)
    out_ref[...] = (total / jnp.maximum(cnt, 1.0)).reshape(1, 1)


_tc_epi = pl.pallas_call(
    _epi_body,
    in_specs=[
        pl.BlockSpec((_BATCH, _NUM_FEATURES), lambda: (0, 0)),
        pl.BlockSpec(memory_space=pl.ANY),
        pl.BlockSpec((_BATCH, 1), lambda: (0, 0)),
        pl.BlockSpec((_BATCH, 1), lambda: (0, 0)),
    ],
    out_shape=jax.ShapeDtypeStruct((1, 1), jnp.float32),
    scratch_shapes=[
        pltpu.VMEM((_BATCH, _NUM_FEATURES), jnp.float32),
        pltpu.SemaphoreType.DMA,
    ],
)


def kernel(inputs, roi_label, lut, labels):
    valid, glut = _get_sc_gather()(roi_label.astype(jnp.int32), labels, lut)
    logz = _tc_logz(inputs, lut)
    out = _tc_epi(inputs, glut, valid.reshape(_BATCH, 1), logz)
    return out[0, 0]

# --- scband reference (transcript-rebuilt; emitter-appended) ---
"""Pipeline reference for scband-oimunsupervised-loss-ori-32916629357083 (READ-ONLY COPY).

The authoritative reference and input builder live on the scoring server;
editing this copy changes nothing except your own understanding.
"""

import jax, jax.numpy as jnp
import numpy as np

NUM_FEATURES = 256
NUM_PIDS = 100000
NUM_SAMPLES = 100000
OIM_SCALAR = 30.0
IGNORE_INDEX = 5554
BATCH = 256


def setup_inputs(seed: int = 0) -> dict:
    key = jax.random.key(seed)
    k1, k2, k3, k4 = jax.random.split(key, 4)
    inputs = jax.random.normal(k1, (BATCH, NUM_FEATURES), dtype=jnp.float32)
    # roi_label values in [0, NUM_SAMPLES); torch passes a list of per-image tensors, here pre-concatenated
    roi_label = jax.random.randint(k2, (BATCH,), 0, NUM_SAMPLES, dtype=jnp.int32)
    # lut buffer (num_pids x num_features); init as unit-norm rows (in torch it is zeros until warmed up)
    lut = jax.random.normal(k3, (NUM_PIDS, NUM_FEATURES), dtype=jnp.float32)
    lut = lut / jnp.linalg.norm(lut, axis=1, keepdims=True)
    # labels buffer maps instance index -> pid class index (int for cross-entropy to be runnable)
    labels = jax.random.randint(k4, (NUM_SAMPLES,), 0, NUM_PIDS, dtype=jnp.int32)
    return {"inputs": inputs, "roi_label": roi_label, "lut": lut, "labels": labels}


def reference(inputs, roi_label, lut, labels):
    # targets = cat(roi_label) - 1
    targets = roi_label - 1
    inds = targets >= 0
    safe_targets = jnp.where(inds, targets, 0)
    label = labels[safe_targets]
    # OIM.forward: inputs.mm(lut.t())
    projected = (inputs @ lut.T) * OIM_SCALAR
    # F.cross_entropy(projected, label, ignore_index=5554)
    logz = jax.scipy.special.logsumexp(projected, axis=1)
    picked = jnp.take_along_axis(projected, label[:, None], axis=1)[:, 0]
    nll = logz - picked
    valid = inds & (label != IGNORE_INDEX)
    loss_oim = jnp.sum(jnp.where(valid, nll, 0.0)) / jnp.maximum(jnp.sum(valid), 1)
    return loss_oim

if __name__ == "__main__":
    import jax
    _d = setup_inputs()
    print(jax.jit(kernel)(*tuple(_d.values())))

</pallas_src>

<mosaic_0001>
#map = affine_map<(d0, d1) -> (0)>
#map1 = affine_map<(d0, d1) -> (0, 0)>
module attributes {stable_mosaic.version = 14 : i64} {
  func.func @sc_gather(%arg0: i32, %arg1: i32, %arg2: memref<256xi32, #tpu.memory_space<hbm>>, %arg3: memref<100000xi32, #tpu.memory_space<hbm>>, %arg4: memref<100000x256xf32, #tpu.memory_space<hbm>>, %arg5: memref<256xf32, #tpu.memory_space<hbm>>, %arg6: memref<256x256xf32, #tpu.memory_space<hbm>>, %arg7: memref<16xi32, #tpu.memory_space<vmem>>, %arg8: memref<16xi32, #tpu.memory_space<vmem>>, %arg9: memref<16xi32, #tpu.memory_space<vmem>>, %arg10: memref<16xf32, #tpu.memory_space<vmem>>, %arg11: memref<16x256xf32, #tpu.memory_space<vmem>>, %arg12: memref<!tpu.dma_semaphore, #tpu.memory_space<semaphore_mem>>) attributes {dimension_semantics = [#tpu.dimension_semantics<core_parallel>, #tpu.dimension_semantics<subcore_parallel>], iteration_bounds = array<i64: 2, 16>, scalar_prefetch = 0 : i64, scratch_operands = 6 : i64, tpu.core_type = #tpu.core_type<sc_vector_subcore>, window_params = [{transform_indices = #map}, {transform_indices = #map}, {transform_indices = #map1}, {transform_indices = #map}, {transform_indices = #map1}]} {
    %mul3A = arith.constant 2 : i32
    %mul3A_0 = arith.muli %arg1, %mul3A : i32
    %add3A = arith.addi %mul3A_0, %arg0 : i32
    %lt3A = arith.constant 16 : i32
    %lt3A_1 = arith.cmpi slt, %add3A, %lt3A : i32
    %convert_element_type3A = arith.extui %lt3A_1 : i1 to i32
    %cond3A = arith.constant 0 : i32
    %cond3A_2 = arith.cmpi ne, %convert_element_type3A, %cond3A : i32
    scf.if %cond3A_2 {
      %mul3A_3 = arith.constant 16 : i32
      %mul3A_4 = arith.muli %add3A, %mul3A_3 : i32
      "tpu.region"() ({
        %run_scoped3A = tpu.sem_alloc : memref<!tpu.dma_semaphore, #tpu.memory_space<semaphore_mem>>
        %dma_start3A_36 = tpu.memref_slice %arg2[%mul3A_4] : memref<256xi32, #tpu.memory_space<hbm>> -> memref<16xi32, #tpu.memory_space<hbm>>
        %dma_start3A_37 = tpu.memref_slice %arg2[%mul3A_4] : memref<256xi32, #tpu.memory_space<hbm>> -> memref<16xi32, #tpu.memory_space<hbm>>
        tpu.enqueue_dma source(%dma_start3A_37 : memref<16xi32, #tpu.memory_space<hbm>>) target(%arg7 : memref<16xi32, #tpu.memory_space<vmem>>) target_semaphore(%run_scoped3A : memref<!tpu.dma_semaphore, #tpu.memory_space<semaphore_mem>>)
        %dma_wait3A_38 = tpu.memref_slice %arg2[%mul3A_4] : memref<256xi32, #tpu.memory_space<hbm>> -> memref<16xi32, #tpu.memory_space<hbm>>
        %dma_wait3A_39 = tpu.memref_slice %arg2[%mul3A_4] : memref<256xi32, #tpu.memory_space<hbm>> -> memref<16xi32, #tpu.memory_space<hbm>>
        tpu.wait_dma2 semaphore(%run_scoped3A : memref<!tpu.dma_semaphore, #tpu.memory_space<semaphore_mem>>) src(%dma_wait3A_39 : memref<16xi32, #tpu.memory_space<hbm>>) dst(%arg7 : memref<16xi32, #tpu.memory_space<vmem>>)
        tpu.yield
      }) : () -> ()
      %get3A = arith.constant 0 : index
      %get3A_5 = tpu.vector_load %arg7[%get3A] {strides = array<i32>} : memref<16xi32, #tpu.memory_space<vmem>>, vector<16xi32>,
      %get3A_6 = vector.shape_cast %get3A_5 : vector<16xi32> to vector<16xi32>
      %sub3A = arith.constant 1 : i32
      %sub3A_7 = vector.broadcast %sub3A : i32 to vector<16xi32>
      %sub3A_8 = arith.subi %get3A_6, %sub3A_7 : vector<16xi32>
      %ge3A = arith.constant 0 : i32
      %ge3A_9 = vector.broadcast %ge3A : i32 to vector<16xi32>
      %ge3A_10 = arith.cmpi sge, %sub3A_8, %ge3A_9 : vector<16xi32>
      %jit3A = arith.constant 0 : i32
      %broadcast_in_dim3A = vector.broadcast %jit3A : i32 to vector<16xi32>
      %select_n3A = arith.select %ge3A_10, %sub3A_8, %broadcast_in_dim3A : vector<16xi1>, vector<16xi32>
      %swap3A = arith.constant 0 : index
      %swap3A_11 = tpu.vector_load %arg8[%swap3A] {strides = array<i32>} : memref<16xi32, #tpu.memory_space<vmem>>, vector<16xi32>,
      %swap3A_12 = vector.shape_cast %swap3A_11 : vector<16xi32> to vector<16xi32>
      %swap3A_13 = vector.shape_cast %select_n3A : vector<16xi32> to vector<16xi32>
      tpu.vector_store %arg8[%swap3A], %swap3A_13 {strides = array<i32>} : memref<16xi32, #tpu.memory_space<vmem>>, vector<16xi32>,
      %dma_start3A = arith.constant 0 : i32
      %dma_start3A_14 = tpu.memref_slice %arg3[%dma_start3A] : memref<100000xi32, #tpu.memory_space<hbm>> -> memref<100000xi32, #tpu.memory_space<hbm>>
      tpu.enqueue_indirect_dma source(%dma_start3A_14 : memref<100000xi32, #tpu.memory_space<hbm>>) target(%arg9 : memref<16xi32, #tpu.memory_space<vmem>>) offsets(%arg8 : memref<16xi32, #tpu.memory_space<vmem>>) semaphore(%arg12 : memref<!tpu.dma_semaphore, #tpu.memory_space<semaphore_mem>>)
      %dma_wait3A = arith.constant 0 : i32
      %dma_wait3A_15 = tpu.memref_slice %arg3[%dma_wait3A] : memref<100000xi32, #tpu.memory_space<hbm>> -> memref<100000xi32, #tpu.memory_space<hbm>>
      tpu.wait_indirect_dma semaphore(%arg12 : memref<!tpu.dma_semaphore, #tpu.memory_space<semaphore_mem>>) src(%dma_wait3A_15 : memref<100000xi32, #tpu.memory_space<hbm>>) dst(%arg9 : memref<16xi32, #tpu.memory_space<vmem>>)
      %get3A_16 = arith.constant 0 : index
      %get3A_17 = tpu.vector_load %arg9[%get3A_16] {strides = array<i32>} : memref<16xi32, #tpu.memory_space<vmem>>, vector<16xi32>,
      %get3A_18 = vector.shape_cast %get3A_17 : vector<16xi32> to vector<16xi32>
      %ne3A = arith.constant 5554 : i32
      %ne3A_19 = vector.broadcast %ne3A : i32 to vector<16xi32>
      %ne3A_20 = arith.cmpi ne, %get3A_18, %ne3A_19 : vector<16xi32>
      %and3A = arith.andi %ge3A_10, %ne3A_20 : vector<16xi1>
      %jit3A_21 = arith.constant 1.000000e+00 : f32
      %jit3A_22 = arith.constant 0.000000e+00 : f32
      %broadcast_in_dim3A_23 = vector.broadcast %jit3A_21 : f32 to vector<16xf32>
      %broadcast_in_dim3A_24 = vector.broadcast %jit3A_22 : f32 to vector<16xf32>
      %select_n3A_25 = arith.select %and3A, %broadcast_in_dim3A_23, %broadcast_in_dim3A_24 : vector<16xi1>, vector<16xf32>
      %swap3A_26 = arith.constant 0 : index
      %swap3A_27 = tpu.vector_load %arg10[%swap3A_26] {strides = array<i32>} : memref<16xf32, #tpu.memory_space<vmem>>, vector<16xf32>,
      %swap3A_28 = vector.shape_cast %swap3A_27 : vector<16xf32> to vector<16xf32>
      %swap3A_29 = vector.shape_cast %select_n3A_25 : vector<16xf32> to vector<16xf32>
      tpu.vector_store %arg10[%swap3A_26], %swap3A_29 {strides = array<i32>} : memref<16xf32, #tpu.memory_space<vmem>>, vector<16xf32>,
      "tpu.region"() ({
        %run_scoped3A = tpu.sem_alloc : memref<!tpu.dma_semaphore, #tpu.memory_space<semaphore_mem>>
        %dma_start3A_36 = tpu.memref_slice %arg5[%mul3A_4] : memref<256xf32, #tpu.memory_space<hbm>> -> memref<16xf32, #tpu.memory_space<hbm>>
        %dma_start3A_37 = tpu.memref_slice %arg5[%mul3A_4] : memref<256xf32, #tpu.memory_space<hbm>> -> memref<16xf32, #tpu.memory_space<hbm>>
        tpu.enqueue_dma source(%arg10 : memref<16xf32, #tpu.memory_space<vmem>>) target(%dma_start3A_37 : memref<16xf32, #tpu.memory_space<hbm>>) target_semaphore(%run_scoped3A : memref<!tpu.dma_semaphore, #tpu.memory_space<semaphore_mem>>)
        %dma_wait3A_38 = tpu.memref_slice %arg5[%mul3A_4] : memref<256xf32, #tpu.memory_space<hbm>> -> memref<16xf32, #tpu.memory_space<hbm>>
        %dma_wait3A_39 = tpu.memref_slice %arg5[%mul3A_4] : memref<256xf32, #tpu.memory_space<hbm>> -> memref<16xf32, #tpu.memory_space<hbm>>
        tpu.wait_dma2 semaphore(%run_scoped3A : memref<!tpu.dma_semaphore, #tpu.memory_space<semaphore_mem>>) src(%arg10 : memref<16xf32, #tpu.memory_space<vmem>>) dst(%dma_wait3A_39 : memref<16xf32, #tpu.memory_space<hbm>>)
        tpu.yield
      }) : () -> ()
      %dma_start3A_30 = arith.constant 0 : i32
      %dma_start3A_31 = arith.constant 0 : i32
      %dma_start3A_32 = tpu.memref_slice %arg4[%dma_start3A_30, %dma_start3A_31] : memref<100000x256xf32, #tpu.memory_space<hbm>> -> memref<100000x256xf32, #tpu.memory_space<hbm>>
      tpu.enqueue_indirect_dma source(%dma_start3A_32 : memref<100000x256xf32, #tpu.memory_space<hbm>>) target(%arg11 : memref<16x256xf32, #tpu.memory_space<vmem>>) offsets(%arg9 : memref<16xi32, #tpu.memory_space<vmem>>) semaphore(%arg12 : memref<!tpu.dma_semaphore, #tpu.memory_space<semaphore_mem>>)
      %dma_wait3A_33 = arith.constant 0 : i32
      %dma_wait3A_34 = arith.constant 0 : i32
      %dma_wait3A_35 = tpu.memref_slice %arg4[%dma_wait3A_33, %dma_wait3A_34] : memref<100000x256xf32, #tpu.memory_space<hbm>> -> memref<100000x256xf32, #tpu.memory_space<hbm>>
      tpu.wait_indirect_dma semaphore(%arg12 : memref<!tpu.dma_semaphore, #tpu.memory_space<semaphore_mem>>) src(%dma_wait3A_35 : memref<100000x256xf32, #tpu.memory_space<hbm>>) dst(%arg11 : memref<16x256xf32, #tpu.memory_space<vmem>>)
      "tpu.region"() ({
        %run_scoped3A = tpu.sem_alloc : memref<!tpu.dma_semaphore, #tpu.memory_space<semaphore_mem>>
        %dma_start3A_36 = arith.constant 0 : i32
        %dma_start3A_37 = tpu.memref_slice %arg6[%mul3A_4, %dma_start3A_36] : memref<256x256xf32, #tpu.memory_space<hbm>> -> memref<16x256xf32, #tpu.memory_space<hbm>>
        %dma_start3A_38 = arith.constant 0 : i32
        %dma_start3A_39 = tpu.memref_slice %arg6[%mul3A_4, %dma_start3A_38] : memref<256x256xf32, #tpu.memory_space<hbm>> -> memref<16x256xf32, #tpu.memory_space<hbm>>
        tpu.enqueue_dma source(%arg11 : memref<16x256xf32, #tpu.memory_space<vmem>>) target(%dma_start3A_39 : memref<16x256xf32, #tpu.memory_space<hbm>>) target_semaphore(%run_scoped3A : memref<!tpu.dma_semaphore, #tpu.memory_space<semaphore_mem>>)
        %dma_wait3A_40 = arith.constant 0 : i32
        %dma_wait3A_41 = tpu.memref_slice %arg6[%mul3A_4, %dma_wait3A_40] : memref<256x256xf32, #tpu.memory_space<hbm>> -> memref<16x256xf32, #tpu.memory_space<hbm>>
        %dma_wait3A_42 = arith.constant 0 : i32
        %dma_wait3A_43 = tpu.memref_slice %arg6[%mul3A_4, %dma_wait3A_42] : memref<256x256xf32, #tpu.memory_space<hbm>> -> memref<16x256xf32, #tpu.memory_space<hbm>>
        tpu.wait_dma2 semaphore(%run_scoped3A : memref<!tpu.dma_semaphore, #tpu.memory_space<semaphore_mem>>) src(%arg11 : memref<16x256xf32, #tpu.memory_space<vmem>>) dst(%dma_wait3A_43 : memref<16x256xf32, #tpu.memory_space<hbm>>)
        tpu.yield
      }) : () -> ()
    } else {
    }
    return
  }
}

module attributes {stable_mosaic.version = 14 : i64} {
  func.func @_epi_body(%arg0: memref<256x256xf32, #tpu.memory_space<vmem>>, %arg1: memref<256x256xf32, #tpu.memory_space<any>>, %arg2: memref<256x1xf32, #tpu.memory_space<vmem>>, %arg3: memref<256x1xf32, #tpu.memory_space<vmem>>, %arg4: memref<1x1xf32, #tpu.memory_space<vmem>>, %arg5: memref<256x256xf32, #tpu.memory_space<vmem>>, %arg6: memref<!tpu.dma_semaphore, #tpu.memory_space<semaphore_mem>>) attributes {dimension_semantics = [], scalar_prefetch = 0 : i64, scratch_operands = 2 : i64, tpu.core_type = #tpu.core_type<tc>} {
    tpu.enqueue_dma source(%arg1 : memref<256x256xf32, #tpu.memory_space<any>>) target(%arg5 : memref<256x256xf32, #tpu.memory_space<vmem>>) target_semaphore(%arg6 : memref<!tpu.dma_semaphore, #tpu.memory_space<semaphore_mem>>)
    tpu.wait_dma2 semaphore(%arg6 : memref<!tpu.dma_semaphore, #tpu.memory_space<semaphore_mem>>) src(%arg1 : memref<256x256xf32, #tpu.memory_space<any>>) dst(%arg5 : memref<256x256xf32, #tpu.memory_space<vmem>>)
    %get3A = arith.constant 0 : index
    %get3A_0 = arith.constant 0 : index
    %get3A_1 = vector.load %arg0[%get3A, %get3A_0] : memref<256x256xf32, #tpu.memory_space<vmem>>, vector<256x256xf32>
    %get3A_2 = arith.constant 0 : index
    %get3A_3 = arith.constant 0 : index
    %get3A_4 = vector.load %arg5[%get3A_2, %get3A_3] : memref<256x256xf32, #tpu.memory_space<vmem>>, vector<256x256xf32>
    %mul3A = arith.mulf %get3A_1, %get3A_4 : vector<256x256xf32>
    %reduce_sum3A = arith.constant dense<0.000000e+00> : vector<256xf32>
    %reduce_sum3A_5 = vector.multi_reduction <add>, %mul3A, %reduce_sum3A [1] : vector<256x256xf32> to vector<256xf32>
    %broadcast_in_dim3A = vector.shape_cast %reduce_sum3A_5 : vector<256xf32> to vector<256x1xf32>
    %mul3A_6 = arith.constant 3.000000e+01 : f32
    %mul3A_7 = vector.broadcast %mul3A_6 : f32 to vector<256x1xf32>
    %mul3A_8 = arith.mulf %broadcast_in_dim3A, %mul3A_7 : vector<256x1xf32>
    %get3A_9 = arith.constant 0 : index
    %get3A_10 = arith.constant 0 : index
    %get3A_11 = vector.load %arg3[%get3A_9, %get3A_10] : memref<256x1xf32, #tpu.memory_space<vmem>>, vector<256x1xf32>
    %sub3A = arith.subf %get3A_11, %mul3A_8 : vector<256x1xf32>
    %get3A_12 = arith.constant 0 : index
    %get3A_13 = arith.constant 0 : index
    %get3A_14 = vector.load %arg2[%get3A_12, %get3A_13] : memref<256x1xf32, #tpu.memory_space<vmem>>, vector<256x1xf32>
    %mul3A_15 = arith.mulf %get3A_14, %sub3A : vector<256x1xf32>
    %reduce_sum3A_16 = vector.shape_cast %mul3A_15 : vector<256x1xf32> to vector<1x256x1xf32>
    %reduce_sum3A_17 = arith.constant dense<0.000000e+00> : vector<1xf32>
    %reduce_sum3A_18 = vector.multi_reduction <add>, %reduce_sum3A_16, %reduce_sum3A_17 [1, 2] : vector<1x256x1xf32> to vector<1xf32>
    %reduce_sum3A_19 = vector.shape_cast %reduce_sum3A_18 : vector<1xf32> to vector<1x1x1xf32>
    %reduce_sum3A_20 = vector.extract %reduce_sum3A_19[0, 0, 0] : f32 from vector<1x1x1xf32>
    %reduce_sum3A_21 = vector.shape_cast %get3A_14 : vector<256x1xf32> to vector<1x256x1xf32>
    %reduce_sum3A_22 = arith.constant dense<0.000000e+00> : vector<1xf32>
    %reduce_sum3A_23 = vector.multi_reduction <add>, %reduce_sum3A_21, %reduce_sum3A_22 [1, 2] : vector<1x256x1xf32> to vector<1xf32>
    %reduce_sum3A_24 = vector.shape_cast %reduce_sum3A_23 : vector<1xf32> to vector<1x1x1xf32>
    %reduce_sum3A_25 = vector.extract %reduce_sum3A_24[0, 0, 0] : f32 from vector<1x1x1xf32>
    %max3A = arith.constant 1.000000e+00 : f32
    %max3A_26 = arith.maximumf %reduce_sum3A_25, %max3A : f32
    %div3A = arith.divf %reduce_sum3A_20, %max3A_26 : f32
    %reshape3A = vector.broadcast %div3A : f32 to vector<1x1xf32>
    %swap3A = arith.constant 0 : index
    %swap3A_27 = arith.constant 0 : index
    %swap3A_28 = vector.load %arg4[%swap3A, %swap3A_27] : memref<1x1xf32, #tpu.memory_space<vmem>>, vector<1x1xf32>
    tpu.vector_store %arg4[%swap3A, %swap3A_27], %reshape3A {strides = array<i32>} : memref<1x1xf32, #tpu.memory_space<vmem>>, vector<1x1xf32>,
    return
  }
}

module attributes {stable_mosaic.version = 14 : i64} {
  func.func @_tc_body(%arg0: i32, %arg1: memref<256x256xf32, #tpu.memory_space<vmem>>, %arg2: memref<10000x256xf32, #tpu.memory_space<vmem>>, %arg3: memref<256x1xf32, #tpu.memory_space<vmem>>, %arg4: memref<256x1xf32, #tpu.memory_space<vmem>>, %arg5: memref<256x1xf32, #tpu.memory_space<vmem>>) attributes {dimension_semantics = [#tpu.dimension_semantics<arbitrary>], iteration_bounds = array<i64: 10>, scalar_prefetch = 0 : i64, scratch_operands = 2 : i64, tpu.core_type = #tpu.core_type<tc>, window_params = [{pipeline_mode = #tpu.pipeline_mode<synchronous>, transform_indices = @transform_0, window_bounds = array<i64: 256, 256>}, {transform_indices = @transform_1, window_bounds = array<i64: 10000, 256>}, {pipeline_mode = #tpu.pipeline_mode<synchronous>, transform_indices = @transform_2, window_bounds = array<i64: 256, 1>}]} {
    %eq3A = arith.constant 0 : i32
    %eq3A_0 = arith.cmpi eq, %arg0, %eq3A : i32
    %convert_element_type3A = arith.extui %eq3A_0 : i1 to i32
    %cond3A = arith.constant 0 : i32
    %cond3A_1 = arith.cmpi ne, %convert_element_type3A, %cond3A : i32
    scf.if %cond3A_1 {
      %broadcast_in_dim3A_38 = arith.constant 0xFF800000 : f32
      %broadcast_in_dim3A_39 = vector.broadcast %broadcast_in_dim3A_38 : f32 to vector<256x1xf32>
      %swap3A_40 = arith.constant 0 : index
      %swap3A_41 = arith.constant 0 : index
      %swap3A_42 = vector.load %arg4[%swap3A_40, %swap3A_41] : memref<256x1xf32, #tpu.memory_space<vmem>>, vector<256x1xf32>
      tpu.vector_store %arg4[%swap3A_40, %swap3A_41], %broadcast_in_dim3A_39 {strides = array<i32>} : memref<256x1xf32, #tpu.memory_space<vmem>>, vector<256x1xf32>,
      %broadcast_in_dim3A_43 = arith.constant 0.000000e+00 : f32
      %broadcast_in_dim3A_44 = vector.broadcast %broadcast_in_dim3A_43 : f32 to vector<256x1xf32>
      %swap3A_45 = arith.constant 0 : index
      %swap3A_46 = arith.constant 0 : index
      %swap3A_47 = vector.load %arg5[%swap3A_45, %swap3A_46] : memref<256x1xf32, #tpu.memory_space<vmem>>, vector<256x1xf32>
      tpu.vector_store %arg5[%swap3A_45, %swap3A_46], %broadcast_in_dim3A_44 {strides = array<i32>} : memref<256x1xf32, #tpu.memory_space<vmem>>, vector<256x1xf32>,
    } else {
    }
    %get3A = arith.constant 0 : index
    %get3A_2 = arith.constant 0 : index
    %get3A_3 = vector.load %arg1[%get3A, %get3A_2] : memref<256x256xf32, #tpu.memory_space<vmem>>, vector<256x256xf32>
    %mul3A = arith.constant 43.2808495 : f32
    %mul3A_4 = vector.broadcast %mul3A : f32 to vector<256x256xf32>
    %mul3A_5 = arith.mulf %get3A_3, %mul3A_4 : vector<256x256xf32>
    %convert_element_type3A_6 = arith.truncf %mul3A_5 : vector<256x256xf32> to vector<256x256xbf16>
    %get3A_7 = arith.constant 0 : index
    %get3A_8 = arith.constant 0 : index
    %get3A_9 = vector.load %arg2[%get3A_7, %get3A_8] : memref<10000x256xf32, #tpu.memory_space<vmem>>, vector<10000x256xf32>
    %convert_element_type3A_10 = arith.truncf %get3A_9 : vector<10000x256xf32> to vector<10000x256xbf16>
    %dot_general3A = arith.constant dense<0.000000e+00> : vector<256x10000xf32>
    %dot_general3A_11 = tpu.matmul %convert_element_type3A_6, %convert_element_type3A_10, %dot_general3A {dimension_numbers = #tpu.dot_dimension_numbers<[1], [1], [0], [0], [0, 0, 1, 0], [], []>, transpose_lhs_hint = false} : vector<256x256xbf16>, vector<10000x256xbf16>, vector<256x10000xf32> -> vector<256x10000xf32>
    %reduce_max3A = arith.constant dense<0xFF800000> : vector<256xf32>
    %reduce_max3A_12 = vector.multi_reduction <maximumf>, %dot_general3A_11, %reduce_max3A [1] : vector<256x10000xf32> to vector<256xf32>
    %broadcast_in_dim3A = vector.shape_cast %reduce_max3A_12 : vector<256xf32> to vector<256x1xf32>
    %get3A_13 = arith.constant 0 : index
    %get3A_14 = arith.constant 0 : index
    %get3A_15 = vector.load %arg4[%get3A_13, %get3A_14] : memref<256x1xf32, #tpu.memory_space<vmem>>, vector<256x1xf32>
    %max3A = arith.maximumf %get3A_15, %broadcast_in_dim3A : vector<256x1xf32>
    %get3A_16 = arith.constant 0 : index
    %get3A_17 = arith.constant 0 : index
    %get3A_18 = vector.load %arg5[%get3A_16, %get3A_17] : memref<256x1xf32, #tpu.memory_space<vmem>>, vector<256x1xf32>
    %get3A_19 = arith.constant 0 : index
    %get3A_20 = arith.constant 0 : index
    %get3A_21 = vector.load %arg4[%get3A_19, %get3A_20] : memref<256x1xf32, #tpu.memory_space<vmem>>, vector<256x1xf32>
    %sub3A = arith.subf %get3A_21, %max3A : vector<256x1xf32>
    %exp23A = math.exp2 %sub3A : vector<256x1xf32>
    %mul3A_22 = arith.mulf %get3A_18, %exp23A : vector<256x1xf32>
    %sub3A_23 = vector.broadcast %max3A : vector<256x1xf32> to vector<256x10000xf32>
    %sub3A_24 = arith.subf %dot_general3A_11, %sub3A_23 : vector<256x10000xf32>
    %exp23A_25 = math.exp2 %sub3A_24 : vector<256x10000xf32>
    %reduce_sum3A = arith.constant dense<0.000000e+00> : vector<256xf32>
    %reduce_sum3A_26 = vector.multi_reduction <add>, %exp23A_25, %reduce_sum3A [1] : vector<256x10000xf32> to vector<256xf32>
    %broadcast_in_dim3A_27 = vector.shape_cast %reduce_sum3A_26 : vector<256xf32> to vector<256x1xf32>
    %add3A = arith.addf %mul3A_22, %broadcast_in_dim3A_27 : vector<256x1xf32>
    %swap3A = arith.constant 0 : index
    %swap3A_28 = arith.constant 0 : index
    %swap3A_29 = vector.load %arg5[%swap3A, %swap3A_28] : memref<256x1xf32, #tpu.memory_space<vmem>>, vector<256x1xf32>
    tpu.vector_store %arg5[%swap3A, %swap3A_28], %add3A {strides = array<i32>} : memref<256x1xf32, #tpu.memory_space<vmem>>, vector<256x1xf32>,
    %swap3A_30 = arith.constant 0 : index
    %swap3A_31 = arith.constant 0 : index
    %swap3A_32 = vector.load %arg4[%swap3A_30, %swap3A_31] : memref<256x1xf32, #tpu.memory_space<vmem>>, vector<256x1xf32>
    tpu.vector_store %arg4[%swap3A_30, %swap3A_31], %max3A {strides = array<i32>} : memref<256x1xf32, #tpu.memory_space<vmem>>, vector<256x1xf32>,
    %eq3A_33 = arith.constant 9 : i32
    %eq3A_34 = arith.cmpi eq, %arg0, %eq3A_33 : i32
    %convert_element_type3A_35 = arith.extui %eq3A_34 : i1 to i32
    %cond3A_36 = arith.constant 0 : i32
    %cond3A_37 = arith.cmpi ne, %convert_element_type3A_35, %cond3A_36 : i32
    scf.if %cond3A_37 {
      %get3A_38 = arith.constant 0 : index
      %get3A_39 = arith.constant 0 : index
      %get3A_40 = vector.load %arg4[%get3A_38, %get3A_39] : memref<256x1xf32, #tpu.memory_space<vmem>>, vector<256x1xf32>
      %get3A_41 = arith.constant 0 : index
      %get3A_42 = arith.constant 0 : index
      %get3A_43 = vector.load %arg5[%get3A_41, %get3A_42] : memref<256x1xf32, #tpu.memory_space<vmem>>, vector<256x1xf32>
      %log3A = math.log %get3A_43 : vector<256x1xf32>
      %log3A_44 = arith.constant 2.000000e+00 : f32
      %log3A_45 = math.log %log3A_44 : f32
      %div3A = vector.broadcast %log3A_45 : f32 to vector<256x1xf32>
      %div3A_46 = arith.divf %log3A, %div3A : vector<256x1xf32>
      %add3A_47 = arith.addf %get3A_40, %div3A_46 : vector<256x1xf32>
      %mul3A_48 = arith.constant 0.693147182 : f32
      %mul3A_49 = vector.broadcast %mul3A_48 : f32 to vector<256x1xf32>
      %mul3A_50 = arith.mulf %add3A_47, %mul3A_49 : vector<256x1xf32>
      %swap3A_51 = arith.constant 0 : index
      %swap3A_52 = arith.constant 0 : index
      %swap3A_53 = vector.load %arg3[%swap3A_51, %swap3A_52] : memref<256x1xf32, #tpu.memory_space<vmem>>, vector<256x1xf32>
      tpu.vector_store %arg3[%swap3A_51, %swap3A_52], %mul3A_50 {strides = array<i32>} : memref<256x1xf32, #tpu.memory_space<vmem>>, vector<256x1xf32>,
    } else {
    }
    return
  }
  func.func @transform_0(%arg0: i32) -> (i32, i32) {
    %c0_i32 = arith.constant 0 : i32
    %c0_i32_0 = arith.constant 0 : i32
    %c0_i32_1 = arith.constant 0 : i32
    return %c0_i32, %c0_i32_0 : i32, i32
  }
  func.func @transform_1(%arg0: i32) -> (i32, i32) {
    %c0_i32 = arith.constant 0 : i32
    %c0_i32_0 = arith.constant 0 : i32
    return %arg0, %c0_i32 : i32, i32
  }
  func.func @transform_2(%arg0: i32) -> (i32, i32) {
    %c0_i32 = arith.constant 0 : i32
    %c0_i32_0 = arith.constant 0 : i32
    %c0_i32_1 = arith.constant 0 : i32
    return %c0_i32, %c0_i32_0 : i32, i32
  }
}

</mosaic_0001>

<sc_bundles>
// kernel: kernel.5.cloned.1.call-start
scs
__scs_entry_jumppad:
0x0: {  	(pc) =	sbr.rel $0x88, $3  }
0x1: {  	(tag) =	ssettag $0x0;
	lr =	simm.s32 $0x1  }
0x2: {  	[smem:$0x3F9D] =	sst lr;
	_ =	strace $0xD0000000  }
0x3: {  	_ = 	snop  }
0x4: {  	_ = 	snop  }
0x5: {  	_ = 	snop  }
0x6: {  	_ = 	snop  }
0x7: {  	_ = 	snop  }
__scs_overlays_trampoline_lowered:
0x8: {  	[smem:$0x3FAC] =	sst s0  }
0x9: {  	[smem:$0x3FAD] =	sst s1  }
0xa: {  	[smem:$0x3FAE] =	sst s2  }
0xb: {  	[smem:$0x3FAF] =	sst s3  }
0xc: {  	[smem:$0x3FB0] =	sst s4  }
0xd: {  	[smem:$0x3FB1] =	sst s5  }
0xe: {  	[smem:$0x3FB2] =	sst s6  }
0xf: {  	[smem:$0x3FB3] =	sst s7  }
0x10: {  	[smem:$0x3FB4] =	sst s8  }
0x11: {  	[smem:$0x3FB5] =	sst s9;
	s0 =	simm.s32 @!p0 $0x0  }
0x12: {  	s1 =	sld [smem:$0x3F9B];
	s0 =	simm.s32 @p0 $0x1  }
0x13: {  	[smem:$0x3FB6] =	sst s0;
	s0 =	simm.s32 @!p1 $0x0  }
0x14: {  	s2 =	sld [smem:$0x3F9A];
	s0 =	simm.s32 @p1 $0x1  }
0x15: {  	[smem:$0x3FB7] =	sst s0;
	s0 =	simm.s32 @!p2 $0x0  }
0x16: {  	s3 =	sld [smem:$0x3FDB];
	s0 =	simm.s32 @p2 $0x1  }
0x17: {  	s4 =	simm.s32 $0x1BF5;
	[smem:$0x3FB9] =	sst s0  }
0x18: {  	s0 =	sld [smem:$0x3F9C];
	_ =	swait.ge [sflag:s4], $0x0  }
0x19: {  	s7 =	sld [smem:$0x3F9D]  }
0x1a: {  	s8 =	sadd.s32 $0xFFFFE003, lr  }
0x1b: {  	s9 =	sadd.s32 $0xFFFFFEF7, lr;
	s5 =	simm.s32 $0xFFFFFFFF;
	p2 =	slt.u32 s8, $0xFFFFF086  }
0x1c: {  	p1 =	slt.u32 s9, $0xF7A;
	s5 =	simm.s32 @!p2 $0x0  }
0x1d: {  	s5 =	simm.s32 @p1 $0x1;
	p0 =	seq.s32 s7, s2  }
0x1e: {  	s7 =	smul.u32 @!p0 $0xF7A, s2;
	p2 =	seq.s32 @!p0 s5, $0x0  }
0x1f: {  	s9 =	smul.u32 $0xF7A, s1;
	s8 =	simm.s32 @!p0 $0x1BF5;
	p2 =	por !p2, p0  }
0x20: {  	[sflag:s8] =	ssyncset.s32 @!p0 $0xFFFFF086;
	s6 =	sadd.s32 @!p0 s3, s7;
	s7 =	simm.s32 @!p0 $0x108  }
0x21: {  	s3 =	sadd.s32 s3, s9;
	s6 =	sadd.s32 @!p0 $0x88, s6;
	s7 =	simm.s32 @p2 $0x1082  }
0x22: {  	[simem:s7], [sflag:s8] =	dma.local @!p0 [hbm:s6], $0xF7A  }
0x23: {  	s9 =	sor.u32 $0xD0000000, s2;
	s6 =	simm.s32 $0x108;
	_ =	swait.ge @!p0 [sflag:s8], $0x0  }
0x24: {  	s3 =	sadd.s32 $0x88, s3;
	s6 =	simm.s32 @!p1 $0x1082;
	[sflag:s4] =	ssyncset.s32 $0xFFFFF086  }
0x25: {  	[simem:s6], [sflag:s4] =	dma.local [hbm:s3], $0xF7A  }
0x26: {  	[smem:$0x3F9D] =	sst s1;
	(tag) =	ssettag s2;
	_ =	strace s9  }
0x27: {  	s1 =	sld [smem:$0x3FAD]  }
0x28: {  	s2 =	sld [smem:$0x3FAE]  }
0x29: {  	s4 =	sld [smem:$0x3FB0]  }
0x2a: {  	p0 =	seq.s32 s5, $0x0;
	s5 =	sld [smem:$0x3FB1]  }
0x2b: {  	s6 =	sld [smem:$0x3FB2]  }
0x2c: {  	s7 =	sld [smem:$0x3FB3]  }
0x2d: {  	s3 =	simm.s32 $0x108;
	s8 =	sld [smem:$0x3FB4]  }
0x2e: {  	s3 =	simm.s32 @!p0 $0x1082;
	s9 =	sld [smem:$0x3FB5]  }
0x2f: {  	lr =	sadd.s32 s0, s3;
	s0 =	sld [smem:$0x3FAC]  }
0x30: {  	s3 =	sld [smem:$0x3FAF]  }
0x31: {  	[smem:$0x3FB8] =	sst s10  }
0x32: {  	s10 =	sld [smem:$0x3FB6];
	_ =	sdelay $0x3  }
0x33: {  	p0 =	seq.s32 s10, $0x1;
	s10 =	sld [smem:$0x3FB8];
	_ =	sdelay $0x3  }
0x34: {  	[smem:$0x3FB8] =	sst s10  }
0x35: {  	s10 =	sld [smem:$0x3FB7];
	_ =	sdelay $0x3  }
0x36: {  	p1 =	seq.s32 s10, $0x1;
	s10 =	sld [smem:$0x3FB8];
	_ =	sdelay $0x3  }
0x37: {  	[smem:$0x3FB8] =	sst s10  }
0x38: {  	s10 =	sld [smem:$0x3FB9]  }
0x39: {  	_ = 	snop;
	(pc) =	sbr.ind lr, $3  }
0x3a: {  	_ = 	snop  }
0x3b: {  	_ = 	snop  }
0x3c: {  	p2 =	seq.s32 s10, $0x1;
	s10 =	sld [smem:$0x3FB8]  }
0x3d: {  	_ =	shalt  }
0x3e: {  	_ =	shalt  }
0x3f: {  	_ =	shalt  }
0x40: {  	_ =	shalt  }
0x41: {  	_ =	shalt  }
0x42: {  	_ =	shalt  }
0x43: {  	_ =	shalt  }
0x44: {  	_ =	shalt  }
0x45: {  	_ =	shalt  }
0x46: {  	_ =	shalt  }
0x47: {  	_ =	shalt  }
0x48: {  	_ =	shalt  }
0x49: {  	_ =	shalt  }
0x4a: {  	_ =	shalt  }
0x4b: {  	_ =	shalt  }
0x4c: {  	_ =	shalt  }
0x4d: {  	_ =	shalt  }
0x4e: {  	_ =	shalt  }
0x4f: {  	_ =	shalt  }
0x50: {  	_ =	shalt  }
0x51: {  	_ =	shalt  }
0x52: {  	_ =	shalt  }
0x53: {  	_ =	shalt  }
0x54: {  	_ =	shalt  }
0x55: {  	_ =	shalt  }
0x56: {  	_ =	shalt  }
0x57: {  	_ =	shalt  }
0x58: {  	_ =	shalt  }
0x59: {  	_ =	shalt  }
0x5a: {  	_ =	shalt  }
0x5b: {  	_ =	shalt  }
0x5c: {  	_ =	shalt  }
0x5d: {  	_ =	shalt  }
0x5e: {  	_ =	shalt  }
0x5f: {  	_ =	shalt  }
0x60: {  	_ =	shalt  }
0x61: {  	_ =	shalt  }
0x62: {  	_ =	shalt  }
0x63: {  	_ =	shalt  }
0x64: {  	_ =	shalt  }
0x65: {  	_ =	shalt  }
0x66: {  	_ =	shalt  }
0x67: {  	_ =	shalt  }
0x68: {  	_ =	shalt  }
0x69: {  	_ =	shalt  }
0x6a: {  	_ =	shalt  }
0x6b: {  	_ =	shalt  }
0x6c: {  	_ =	shalt  }
0x6d: {  	_ =	shalt  }
0x6e: {  	_ =	shalt  }
0x6f: {  	_ =	shalt  }
0x70: {  	_ =	shalt  }
0x71: {  	_ =	shalt  }
0x72: {  	_ =	shalt  }
0x73: {  	_ =	shalt  }
0x74: {  	_ =	shalt  }
0x75: {  	_ =	shalt  }
0x76: {  	_ =	shalt  }
0x77: {  	_ =	shalt  }
0x78: {  	_ =	shalt  }
0x79: {  	_ =	shalt  }
0x7a: {  	_ =	shalt  }
0x7b: {  	_ =	shalt  }
0x7c: {  	_ =	shalt  }
0x7d: {  	_ =	shalt  }
0x7e: {  	_ =	shalt  }
0x7f: {  	_ =	shalt  }
0x80: {  	_ =	shalt  }
0x81: {  	_ =	shalt  }
0x82: {  	_ =	shalt  }
0x83: {  	_ =	shalt  }
0x84: {  	_ =	shalt  }
0x85: {  	_ =	shalt  }
0x86: {  	_ =	shalt  }
0x87: {  	_ =	shalt  }
.Lfunc_end0:
.L_simem_size_0:
called_computation_lowered:
.L_overlay_start_0:
0x88: {  	s2 =	sld [smem:$0x3FD9]  }
0x89: {  	s3 =	sld [smem:$0x3FFE];
	_ =	sdelay $0x1  }
0x8a: {  	s1 =	srdreg.scid  }
0x8b: {  	s0 =	sand.u32 $0x1, s1  }
0x8c: {  	s17 =	sshll.u32 s0, $0xA;
	s2 =	sadd.s32 s3, s2  }
0x8d: {  	s2 =	sadd.s32 s2, s17  }
0x8e: {  	[smem:$0x3FC4] =	sst s2  }
0x8f: {  	_ = 	snop  }
0x90: {  	s2 =	sld [smem:$0x3FC8]  }
0x91: {  	s18 =	sld [smem:$0x3FC7]  }
0x92: {  	s4 =	sld [smem:$0x3FC6];
	(tm) =	ssettm $0x1  }
0x93: {  	s5 =	sld [smem:$0x3FFB];
	_ =	sdelay $0x3  }
0x94: {  	_ =	strace s5  }
0x95: {  	s5 =	sld [smem:$0x3FFC];
	_ =	sdelay $0x3  }
0x96: {  	_ =	strace s5  }
0x97: {  	s5 =	sld [smem:$0x3FFD];
	_ =	sdelay $0x3  }
0x98: {  	_ =	strace s5  }
0x99: {  	_ =	strace $0x8FFFFFFF  }
0x9a: {  	s19 =	sld [smem:$0x3FDB];
	_ =	sdelay $0x1  }
0x9b: {  	s6 =	simm.s32 $_scs_section_size  }
0x9c: {  	s7 =	simm.s32 $_size__tile_overlayer_lowered;
	s8 =	simm.s32 $_tile_overlayer_lowered  }
0x9d: {  	s22 =	simm.s32 $0x1BFF;
	s21 =	sshll.u32 s8, $0x1;
	s5 =	sadd.s32 s6, s19  }
0x9e: {  	s9 =	simm.s32 $0x0;
	s20 =	sshll.u32 s7, $0x1;
	s7 =	sadd.s32 s21, s5  }
0x9f: {  	[timem:s9], [sflag:s22] =	dma.local [hbm:s7], s20  }
0xa0: {  	_ =	swait.ge [sflag:s22], s20  }
0xa1: {  	s6 =	ssub.s32 $0x0, s20;
	[sflag:s22] =	ssyncset.done $0x0  }
0xa2: {  	[sflag:s22] =	ssyncadd.s32 s6;
	_ =	sdelay $0x1  }
0xa3: {  	s23 =	simm.s32 $0x1B8B  }
0xa4: {  	_ =	swait.ge [sflag:s23], $0x1  }
0xa5: {  	[sflag:s23] =	ssyncset.done $0x0  }
0xa6: {  	s25 =	simm.s32 $0x1B8E;
	s24 =	sld [smem:$0x3FFE];
	[sflag:s23] =	ssyncadd.s32 $0xFFFFFFFF  }
0xa7: {  	s26 =	simm.s32 $execute0_lowered;
	[smem:$0x3FD2] =	sst s25  }
0xa8: {  	s7 =	sshll.u32 s26, $0x1;
	_ =	strace $0x80000046;
	[dreg:$0x1] =	wrdreg $0xFFFFFFFF  }
0xa9: {  	s28 =	simm.s32 $_size_execute0_lowered;
	s5 =	sadd.s32 s5, s7;
	[dreg:$0x0] =	wrdreg $0x0  }
0xaa: {  	s7 =	sshll.u32 s28, $0x1;
	[dreg:$0x2] =	wrdreg s5  }
0xab: {  	[dreg:$0x3] =	wrdreg s7  }
0xac: {  	[dreg:$0x4] =	wrdreg $0xC0  }
0xad: {  	_ =	task [dreg:s9], $0x5FFFF  }
0xae: {  	[dreg:$0x1] =	wrdreg $0xFFFFFFFF  }
0xaf: {  	[dreg:$0x0] =	wrdreg $0x60  }
0xb0: {  	[dreg:$0x2] =	wrdreg s2  }
0xb1: {  	[dreg:$0x3] =	wrdreg s4  }
0xb2: {  	[dreg:$0x4] =	wrdreg s18  }
0xb3: {  	[dreg:$0x5] =	wrdreg s24  }
0xb4: {  	[dreg:$0x6] =	wrdreg $0x9  }
0xb5: {  	_ =	task.clear_ibuf [dreg:s9], $0x7FFFF;
	_ =	strace $0x90000046  }
0xb6: {  	s29 =	simm.s32 $0x9;
	_ =	strace $0x80000048  }
0xb7: {  	_ =	swait.ge [sflag:s29], $0x1  }
0xb8: {  	[sflag:s29] =	ssyncadd.s32 $0xFFFFFFFF  }
0xb9: {  	_ =	strace $0x90000048  }
0xba: {  	_ =	sfence  }
0xbb: {  	s30 =	sld [smem:$0x0];
	_ =	sdelay $0x2  }
0xbc: {  	s31 =	sshll.u32 s1, $0xD;
	s1 =	sshrl.u32 s1, $0x2  }
0xbd: {  	s3 =	sand.u32 $0x4000, s31;
	s1 =	sadd.s32 s1, s30  }
0xbe: {  	s0 =	sor.u32 s3, s0;
	s1 =	sshll.u32 s1, $0x11  }
0xbf: {  	s0 =	sor.u32 s1, s0  }
0xc0: {  	s0 =	sadd.s32 $0x8F2B, s0  }
0xc1: {  	[sflag:s0] =	ssyncadd.remote.s32 $0x1  }
0xc2: {  	_ =	sfence.sel $0xFFFF  }
0xc3: {  	[dreg:$0x0] =	wrdreg $0xFFFFFFFF;
	(pc) =	sbr.abs _section_cstart, $3  }
0xc4: {  	[dreg:$0x1] =	wrdreg $0xFFFFFFFF  }
0xc5: {  	_ =	task.clear_ibuf [dreg:s9], $0x2FFFF;
	_ =	strace $0x9FFFFFFF  }
0xc6: {  	(tm) =	ssettm $0x7FFFFFFF  }
0xc7: {  	_ =	shalt  }
tec
execute0_lowered:
.L_overlay_start_1:
0x0: {  	(tag) =	ssettag $0x1  }
0x1: {  	s1 =	stileid.u32  }
0x2: {  	s5 =	rddreg [dreg:$0x0];
	p0 =	sgt.u32 s1, $0x7  }
.Ltmp0:
0x3: {  	s2 =	rddreg [dreg:$0x1];
	(pc) =	sbr.rel @p0 .LBB2_4-.Ltmp0, $4  }
0x4: {  	s3 =	rddreg [dreg:$0x2]  }
0x5: {  	s15 =	rddreg [dreg:$0x3];
	s4 =	simm.s32 $0x0  }
0x6: {  	[smem:$0x7FF] =	sst s4  }
0x7: {  	s0 =	rddreg [dreg:$0x4];
	_ =	strace $0x80000047  }
0x8: {  	s6 =	srdreg.scid  }
0x9: {  	s29 =	sshll.u32 s1, $0x1;
	s14 =	sand.u32 $0x1, s6  }
0xa: {  	s16 =	sor.u32 s14, s29  }
0xb: {  	s11 =	sshll.u32 s16, $0x1  }
0xc: {  	s6 =	sadd.s32 s5, s11;
	s5 =	simm.s32 $0x2  }
0xd: {  	[tilespmem:s4], [sflag:$0x2] =	stream.linear.gather [hbm4b:s6+s4], $0x10, $0x38;
	[tilespmem:$0x1200] =	vst v63  }
0xe: {  	_ =	swait.ge [sflag:s5], $0x10  }
0xf: {  	[sflag:s5] =	ssyncset.done $0x0  }
0x10: {  	[sflag:s5] =	ssyncadd.s32 $0xFFFFFFF0  }
0x11: {  	v0 =	vld [tilespmem:$0x0];
	_ =	sdelay $0x4  }
0x12: {  	v0 =	vadd.s32 $0xFFFFFFFF, v0  }
0x13: {  	vm0 =	vgt.s32 v0, $0x0  }
0x14: {  	s7 =	simm.s32 $0x10;
	v1 =	vnsel vm0, $0x0, v0  }
0x15: {  	s8 =	simm.s32 $0x80;
	s9 =	simm.s32 $0x100;
	s10 =	simm.s32 $0x1;
	[tilespmem:$0x80] =	vst v1  }
0x16: {  	[tilespmem:s9], [sflag:$0x1] =	stream.indirect.gather [hbm4b:s2+s7], $0x1, s8, s7, $0xb8;
	[tilespmem:$0x1200] =	vst v63  }
0x17: {  	_ =	swait.ge [sflag:s10], $0x10  }
0x18: {  	[sflag:s10] =	ssyncset.done $0x0  }
0x19: {  	[sflag:s10] =	ssyncadd.s32 $0xFFFFFFF0  }
0x1a: {  	v1 =	vld [tilespmem:$0x100];
	_ =	sdelay $0x4  }
0x1b: {  	vm0 =	vgt.s32 v0, $0xFFFFFFFF;
	vm1 =	vne.s32 v1, $0x15B2  }
0x1c: {  	v0 =	vimm.f32 $0.0e+00;
	vm0 =	vmand vm0, vm1  }
0x1d: {  	s11 =	sadd.s32 s11, s15;
	v1 =	vsel vm0, $0x3F800000, v0  }
0x1e: {  	s12 =	simm.s32 $0x180;
	s11 =	sadd.s32 $0xC00, s11;
	[tilespmem:$0x180] =	vst v1  }
0x1f: {  	[hbm4b:s11+s4] =	stream.linear.scatter [tilespmem:s12], [sflag:$0x2], $0x10, $0x38;
	[tilespmem:$0x1200] =	vst v63  }
0x20: {  	_ =	swait.ge [sflag:s5], $0x10  }
0x21: {  	[sflag:s5] =	ssyncset.done $0x0  }
0x22: {  	[sflag:s5] =	ssyncadd.s32 $0xFFFFFFF0  }
0x23: {  	v1 =	vld [tilespmem:$0x100];
	_ =	sdelay $0x4  }
0x24: {  	v2 =	vshll.u32 v1, $0x1  }
0x25: {  	v3 =	vlaneseq.u32;
	v4 =	vand.u32 $0x7, v1;
	v2 =	vand.u32 $0xFFFFFFF0, v2  }
0x26: {  	v5 =	vshrl.u32 v3, $0x3;
	v1 =	vand.u32 $0x7, v3;
	v4 =	vor.u32 v4, v2  }
0x27: {  	v2 =	vmul.u32 $0x8, v5;
	v5 =	vperm.xlane v4, v1  }
0x28: {  	v3 =	vor.u32 $0x8, v3  }
0x29: {  	v4 =	vperm.xlane v4, v3;
	v5 =	vadd.s32 v2, v5;
	_ =	sdelay $0x1  }
0x2a: {  	s17 =	ssub.s32 $0x2, s14;
	v4 =	vadd.s32 v2, v4  }
0x2b: {  	s18 =	sshrl.u32 s17, $0x1  }
0x2c: {  	s13 =	simm.s32 $0x200;
	s16 =	sshll.u32 s16, $0x9;
	s31 =	ssub.s32 s17, s18;
	vm0 =	vmmov $0xffff  }
0x2d: {  	[tilespmem:s13], [sflag:$0x1] =	stream.indirect_vreg.gather [hbm4b:s3+s4], $0x80, v5, vm0, $0xb8;
	[tilespmem:$0x1200] =	vst v63  }
0x2e: {  	s14 =	simm.s32 $0xA00;
	s30 =	sadd.s32 s16, s15;
	s16 =	smax.u32 s31, $0x1  }
0x2f: {  	[tilespmem:s14], [sflag:$0x1] =	stream.indirect_vreg.gather [hbm4b:s3+s4], $0x80, v4, vm0, $0xb8;
	[tilespmem:$0x1200] =	vst v63  }
0x30: {  	p0 =	sne.s32 s16, $0x1;
	_ =	swait.ge [sflag:s10], $0x1000  }
.Ltmp1:
0x31: {  	[sflag:s10] =	ssyncset.done $0x0;
	(pc) =	sbr.rel @!p0 .LBB2_3-.Ltmp1, $4  }
0x32: {  	s15 =	sadd.s32 $0xE00, s30;
	[sflag:s10] =	ssyncadd.s32 $0xFFFFF000  }
0x33: {  	[hbm4b:s15+s4] =	stream.linear.scatter [tilespmem:s13], [sflag:$0x2], $0x1000, $0x38;
	[tilespmem:$0x1200] =	vst v63  }
0x34: {  	_ =	swait.ge [sflag:s5], $0x1000  }
0x35: {  	s16 =	sadd.s32 $0xFFFFFFFF, s16;
	[sflag:s5] =	ssyncset.done $0x0  }
.LBB2_2:
0x36: {  	p0 =	sne.s32 s16, $0x1;
	s16 =	sadd.s32 $0xFFFFFFFF, s16;
	[sflag:s5] =	ssyncadd.s32 $0xFFFFF000  }
0x37: {  	[tilespmem:s4], [sflag:$0x2] =	stream.linear.gather [hbm4b:s6+s4], $0x10, $0x38;
	[tilespmem:$0x1200] =	vst v63  }
0x38: {  	_ =	swait.ge [sflag:s5], $0x10  }
0x39: {  	[sflag:s5] =	ssyncset.done $0x0  }
0x3a: {  	[sflag:s5] =	ssyncadd.s32 $0xFFFFFFF0  }
0x3b: {  	v4 =	vld [tilespmem:$0x0];
	_ =	sdelay $0x4  }
0x3c: {  	v4 =	vadd.s32 $0xFFFFFFFF, v4  }
0x3d: {  	vm1 =	vgt.s32 v4, $0x0  }
0x3e: {  	v5 =	vnsel vm1, $0x0, v4  }
0x3f: {  	[tilespmem:$0x80] =	vst v5  }
0x40: {  	[tilespmem:s9], [sflag:$0x1] =	stream.indirect.gather [hbm4b:s2+s7], $0x1, s8, s7, $0xb8;
	[tilespmem:$0x1200] =	vst v63  }
0x41: {  	_ =	swait.ge [sflag:s10], $0x10  }
0x42: {  	[sflag:s10] =	ssyncset.done $0x0  }
0x43: {  	[sflag:s10] =	ssyncadd.s32 $0xFFFFFFF0  }
0x44: {  	v5 =	vld [tilespmem:$0x100];
	_ =	sdelay $0x4  }
0x45: {  	vm1 =	vgt.s32 v4, $0xFFFFFFFF;
	vm2 =	vne.s32 v5, $0x15B2  }
0x46: {  	vm1 =	vmand vm1, vm2  }
0x47: {  	v4 =	vsel vm1, $0x3F800000, v0  }
0x48: {  	[tilespmem:$0x180] =	vst v4  }
0x49: {  	[hbm4b:s11+s4] =	stream.linear.scatter [tilespmem:s12], [sflag:$0x2], $0x10, $0x38;
	[tilespmem:$0x1200] =	vst v63  }
0x4a: {  	_ =	swait.ge [sflag:s5], $0x10  }
0x4b: {  	[sflag:s5] =	ssyncset.done $0x0  }
0x4c: {  	[sflag:s5] =	ssyncadd.s32 $0xFFFFFFF0  }
0x4d: {  	v4 =	vld [tilespmem:$0x100];
	_ =	sdelay $0x4  }
0x4e: {  	v5 =	vshll.u32 v4, $0x1  }
0x4f: {  	v4 =	vand.u32 $0x7, v4;
	v5 =	vand.u32 $0xFFFFFFF0, v5  }
0x50: {  	v4 =	vor.u32 v4, v5  }
0x51: {  	v5 =	vperm.xlane v4, v1;
	v4 =	vperm.xlane v4, v3;
	_ =	sdelay $0x1  }
0x52: {  	v5 =	vadd.s32 v2, v5;
	_ =	sdelay $0x1  }
0x53: {  	v4 =	vadd.s32 v2, v4;
	_ =	sdelay $0x2  }
0x54: {  	[tilespmem:s13], [sflag:$0x1] =	stream.indirect_vreg.gather [hbm4b:s3+s4], $0x80, v5, vm0, $0xb8;
	[tilespmem:$0x1200] =	vst v63  }
0x55: {  	_ = 	snop  }
0x56: {  	[tilespmem:s14], [sflag:$0x1] =	stream.indirect_vreg.gather [hbm4b:s3+s4], $0x80, v4, vm0, $0xb8;
	[tilespmem:$0x1200] =	vst v63  }
0x57: {  	_ =	swait.ge [sflag:s10], $0x1000  }
.Ltmp2:
0x58: {  	[sflag:s10] =	ssyncset.done $0x0;
	(pc) =	sbr.rel @p0 .LBB2_2-.Ltmp2, $4  }
0x59: {  	[sflag:s10] =	ssyncadd.s32 $0xFFFFF000  }
0x5a: {  	[hbm4b:s15+s4] =	stream.linear.scatter [tilespmem:s13], [sflag:$0x2], $0x1000, $0x38;
	[tilespmem:$0x1200] =	vst v63  }
0x5b: {  	_ =	swait.ge [sflag:s5], $0x1000  }
0x5c: {  	[sflag:s5] =	ssyncset.done $0x0  }
.LBB2_3:
0x5d: {  	[sflag:s5] =	ssyncadd.s32 $0xFFFFF000  }
.LBB2_4:
0x5e: {  	_ =	sfence.sel $0x180000  }
0x5f: {  	[bflag:$0x0] =	sbarrier.arrive $0xFFFF  }
0x60: {  	p0 =	sne.s32 s1, $0x0;
	_ =	strace $0x90000047  }
0x61: {  	s0 =	sadd.s32 @!p0 $0x100000, s0;
	[bflag:$0x2] =	sbarrier.arrive $0xFFFF  }
0x62: {  	[sflag:s0] =	ssyncadd.tile.s32 @!p0 $0x1;
	_ =	shalt  }
.Lfunc_end2:
_tile_overlayer_lowered:
.L_overlay_start_2:
0x63: {  	(tag) =	ssettag $0x2  }
0x64: {  	s0 =	rddreg [dreg:$0x0];
	s2 =	stileid.u32  }
0x65: {  	s1 =	rddreg [dreg:$0x1];
	p0 =	sne.s32 s2, $0x0  }
0x66: {  	s3 =	rddreg [dreg:$0x2];
	[bflag:$0x3] =	sbarrier.arrive $0xFFFF;
	s2 =	simm.s32 @!p0 $0x1C02  }
0x67: {  	[timem:s3], [sflag:s2] =	dma.local @!p0 [hbm:s0], s1  }
0x68: {  	s0 =	simm.s32 @!p0 $0x2  }
0x69: {  	_ =	swait.ge @!p0 [sflag:s0], s1  }
0x6a: {  	s1 =	ssub.s32 @!p0 $0x0, s1;
	[sflag:s0] =	ssyncset.done @!p0 $0x0  }
0x6b: {  	[sflag:s0] =	ssyncadd.s32 @!p0 s1  }
0x6c: {  	[bflag:$0x3] =	sbarrier.arrive $0xFFFF  }
0x6d: {  	_ =	shalt  }

</sc_bundles>
